<compile_context>
chip_gen: v7x
topology: tpu7x:2x2x1
jax: 0.10.2.dev20260603
libtpu: 0.0.44.dev20260713+nightly
codegen_flags: <defaults>
</compile_context>

<pallas_src>
import functools

import jax
import jax.numpy as jnp
from jax import lax
from jax.experimental import pallas as pl
from jax.experimental.pallas import tpu as pltpu
from jax.experimental.pallas import tpu_sc as plsc

CHUNK = 128
EDGE_SLICES = 16
HALF = 5120


def _mm_body(x_ref, w_ref, b_ref, y_ref, ys_ref, *, d_out):
    both = jnp.dot(x_ref[...], w_ref[...], preferred_element_type=jnp.float32)
    y_ref[...] = both[:, :d_out]
    ys_ref[...] = both[:, d_out:] + b_ref[...]


def _matmuls(x, w_cat, b_row, d_out, bm):
    n = x.shape[0]
    d_in = x.shape[1]
    return pl.pallas_call(
        functools.partial(_mm_body, d_out=d_out),
        grid=(n // bm,),
        in_specs=[
            pl.BlockSpec((bm, d_in), lambda i: (i, 0)),
            pl.BlockSpec((d_in, 2 * d_out), lambda i: (0, 0)),
            pl.BlockSpec((1, d_out), lambda i: (0, 0)),
        ],
        out_specs=[
            pl.BlockSpec((bm, d_out), lambda i: (i, 0)),
            pl.BlockSpec((bm, d_out), lambda i: (i, 0)),
        ],
        out_shape=[
            jax.ShapeDtypeStruct((n, d_out), jnp.float32),
            jax.ShapeDtypeStruct((n, d_out), jnp.float32),
        ],
    )(x, w_cat, b_row)


def _make_sc_scatter(n, d, n_chunks):
    mesh = plsc.VectorSubcoreMesh(core_axis_name="c", subcore_axis_name="s")
    hi_rows = n - HALF
    lo_rpt = HALF // 16
    hi_rpt = 304
    hi_last = hi_rows - 15 * hi_rpt

    @functools.partial(
        pl.kernel,
        mesh=mesh,
        out_type=jax.ShapeDtypeStruct((n, d), jnp.float32),
        scratch_types=[
            pltpu.VMEM((n_chunks, CHUNK), jnp.int32),
            pltpu.VMEM((n_chunks, CHUNK), jnp.int32),
            pltpu.VMEM((1, CHUNK), jnp.int32),
            pltpu.VMEM((CHUNK, d), jnp.float32),
            pltpu.VMEM_SHARED((HALF + 8, d), jnp.float32),
            pltpu.SemaphoreType.DMA,
        ],
    )
    def sc_scatter(y_hbm, src_hbm, dst_hbm, yself_hbm,
                   out_hbm, src_v, dst_v, idx_row, rows_v, acc, sem):
        cid = lax.axis_index("c")
        sid = lax.axis_index("s")
        lo = cid * HALF

        pltpu.sync_copy(src_hbm.at[sid], src_v)
        pltpu.sync_copy(dst_hbm.at[sid], dst_v)

        @pl.when(cid == 0)
        def _():
            pltpu.sync_copy(yself_hbm.at[pl.ds(sid * lo_rpt, lo_rpt)],
                            acc.at[pl.ds(sid * lo_rpt, lo_rpt)])

        @pl.when((cid == 1) & (sid < 15))
        def _():
            pltpu.sync_copy(yself_hbm.at[pl.ds(HALF + sid * hi_rpt, hi_rpt)],
                            acc.at[pl.ds(sid * hi_rpt, hi_rpt)])

        @pl.when((cid == 1) & (sid == 15))
        def _():
            pltpu.sync_copy(yself_hbm.at[pl.ds(HALF + 15 * hi_rpt, hi_last)],
                            acc.at[pl.ds(15 * hi_rpt, hi_last)])

        plsc.subcore_barrier()

        def body(j, carry):
            cp = pltpu.async_copy(y_hbm.at[src_v.at[j]], rows_v, sem)
            for k in range(CHUNK // 16):
                dstk = dst_v[j, pl.ds(k * 16, 16)]
                local = dstk - lo
                ok = (local >= 0) & (local < HALF)
                idx_row[0, pl.ds(k * 16, 16)] = jnp.where(ok, local, HALF)
            cp.wait()
            pltpu.sync_copy(rows_v, acc.at[idx_row.at[0]], add=True)
            return carry

        lax.fori_loop(0, n_chunks, body, 0, unroll=False)

        plsc.subcore_barrier()

        @pl.when(cid == 0)
        def _():
            pltpu.sync_copy(acc.at[pl.ds(sid * lo_rpt, lo_rpt)],
                            out_hbm.at[pl.ds(sid * lo_rpt, lo_rpt)])

        @pl.when((cid == 1) & (sid < 15))
        def _():
            pltpu.sync_copy(acc.at[pl.ds(sid * hi_rpt, hi_rpt)],
                            out_hbm.at[pl.ds(HALF + sid * hi_rpt, hi_rpt)])

        @pl.when((cid == 1) & (sid == 15))
        def _():
            pltpu.sync_copy(acc.at[pl.ds(15 * hi_rpt, hi_last)],
                            out_hbm.at[pl.ds(HALF + 15 * hi_rpt, hi_last)])

    return sc_scatter


def kernel(x, edge_index, W, W_self, b):
    n, d_in = x.shape
    d_out = W.shape[1]
    e = edge_index.shape[1]

    w_cat = jnp.concatenate([W, W_self], axis=1)
    y, yself = _matmuls(x, w_cat, b.reshape(1, d_out), d_out, bm=2000)

    grain = EDGE_SLICES * CHUNK
    e_pad = ((e + grain - 1) // grain) * grain
    n_chunks = e_pad // grain
    src2 = jnp.pad(edge_index[0], (0, e_pad - e)).reshape(
        EDGE_SLICES, n_chunks, CHUNK)
    dst2 = jnp.pad(edge_index[1], (0, e_pad - e),
                   constant_values=2 * n).reshape(EDGE_SLICES, n_chunks, CHUNK)

    return _make_sc_scatter(n, d_out, n_chunks)(y, src2, dst2, yself)

# --- scband reference (transcript-rebuilt; emitter-appended) ---
"""Pipeline reference for scband-sheaf-message-passing-74285754352276 (READ-ONLY COPY).

The authoritative reference and input builder live on the scoring server;
editing this copy changes nothing except your own understanding.
"""

import jax, jax.numpy as jnp
import numpy as np

N = 10000
E = 320000
D_IN = 128
D_OUT = 128


def setup_inputs(seed: int = 0) -> dict:
    key = jax.random.key(seed)
    k1, k2, k3, k4 = jax.random.split(key, 4)
    x = jax.random.normal(k1, (N, D_IN), dtype=jnp.float32)
    edge_index = jax.random.randint(k2, (2, E), 0, N, dtype=jnp.int32)
    scale = 1.0 / np.sqrt(D_IN)
    W = jax.random.normal(k3, (D_IN, D_OUT), dtype=jnp.float32) * scale
    W_self = jax.random.normal(k4, (D_IN, D_OUT), dtype=jnp.float32) * scale
    b = jnp.zeros((D_OUT,), dtype=jnp.float32)
    return {"x": x, "edge_index": edge_index, "W": W, "W_self": W_self, "b": b}


def _sheaf_conv_layer(x, edge_index, W, W_self, b):
    # SheafConvLayer: restriction map applied to source fibers (gather -> linear),
    # scatter-add aggregation at destination nodes, plus self-loop transform and bias.
    src = edge_index[0]
    dst = edge_index[1]
    msgs = x[src] @ W                                      # gather + fiber-wise linear restriction
    agg = jax.ops.segment_sum(msgs, dst, num_segments=N)   # scatter-add over destination nodes
    return agg + x @ W_self + b                            # self-loop + bias


def reference(x, edge_index, W, W_self, b):
    # SheafMessagePassing.forward with track_compatibility=False:
    # sequential application of SheafConvLayer stack (single layer here since
    # hidden_channels=[] -> layer_dims=[128,128]).
    out = _sheaf_conv_layer(x, edge_index, W, W_self, b)
    return out

if __name__ == "__main__":
    import jax
    _d = setup_inputs()
    print(jax.jit(kernel)(*tuple(_d.values())))

</pallas_src>

<mosaic_0001>
#map = affine_map<(d0, d1) -> (0, 0)>
#map1 = affine_map<(d0, d1) -> (0, 0, 0)>
module attributes {stable_mosaic.version = 14 : i64} {
  func.func @sc_scatter(%arg0: i32, %arg1: i32, %arg2: memref<10000x128xf32, #tpu.memory_space<hbm>>, %arg3: memref<16x157x128xi32, #tpu.memory_space<hbm>>, %arg4: memref<16x157x128xi32, #tpu.memory_space<hbm>>, %arg5: memref<10000x128xf32, #tpu.memory_space<hbm>>, %arg6: memref<10000x128xf32, #tpu.memory_space<hbm>>, %arg7: memref<157x128xi32, #tpu.memory_space<vmem>>, %arg8: memref<157x128xi32, #tpu.memory_space<vmem>>, %arg9: memref<1x128xi32, #tpu.memory_space<vmem>>, %arg10: memref<128x128xf32, #tpu.memory_space<vmem>>, %arg11: memref<5128x128xf32, #tpu.memory_space<vmem_shared>>, %arg12: memref<!tpu.dma_semaphore, #tpu.memory_space<semaphore_mem>>) attributes {dimension_semantics = [#tpu.dimension_semantics<core_parallel>, #tpu.dimension_semantics<subcore_parallel>], iteration_bounds = array<i64: 2, 16>, scalar_prefetch = 0 : i64, scratch_operands = 6 : i64, tpu.core_type = #tpu.core_type<sc_vector_subcore>, window_params = [{transform_indices = #map}, {transform_indices = #map1}, {transform_indices = #map1}, {transform_indices = #map}, {transform_indices = #map}]} {
    %mul3A = arith.constant 5120 : i32
    %mul3A_0 = arith.muli %arg0, %mul3A : i32
    "tpu.region"() ({
      %run_scoped3A = tpu.sem_alloc : memref<!tpu.dma_semaphore, #tpu.memory_space<semaphore_mem>>
      %dma_start3A = arith.constant 0 : i32
      %dma_start3A_44 = arith.constant 0 : i32
      %dma_start3A_45 = tpu.memref_slice %arg3[%arg1, %dma_start3A, %dma_start3A_44] : memref<16x157x128xi32, #tpu.memory_space<hbm>> -> memref<1x157x128xi32, #tpu.memory_space<hbm>>
      %dma_start3A_46 = tpu.memref_squeeze %dma_start3A_45 : memref<1x157x128xi32, #tpu.memory_space<hbm>> -> memref<157x128xi32, #tpu.memory_space<hbm>>
      %dma_start3A_47 = arith.constant 0 : i32
      %dma_start3A_48 = arith.constant 0 : i32
      %dma_start3A_49 = tpu.memref_slice %arg3[%arg1, %dma_start3A_47, %dma_start3A_48] : memref<16x157x128xi32, #tpu.memory_space<hbm>> -> memref<1x157x128xi32, #tpu.memory_space<hbm>>
      %dma_start3A_50 = tpu.memref_squeeze %dma_start3A_49 : memref<1x157x128xi32, #tpu.memory_space<hbm>> -> memref<157x128xi32, #tpu.memory_space<hbm>>
      tpu.enqueue_dma source(%dma_start3A_50 : memref<157x128xi32, #tpu.memory_space<hbm>>) target(%arg7 : memref<157x128xi32, #tpu.memory_space<vmem>>) target_semaphore(%run_scoped3A : memref<!tpu.dma_semaphore, #tpu.memory_space<semaphore_mem>>)
      %dma_wait3A = arith.constant 0 : i32
      %dma_wait3A_51 = arith.constant 0 : i32
      %dma_wait3A_52 = tpu.memref_slice %arg3[%arg1, %dma_wait3A, %dma_wait3A_51] : memref<16x157x128xi32, #tpu.memory_space<hbm>> -> memref<1x157x128xi32, #tpu.memory_space<hbm>>
      %dma_wait3A_53 = tpu.memref_squeeze %dma_wait3A_52 : memref<1x157x128xi32, #tpu.memory_space<hbm>> -> memref<157x128xi32, #tpu.memory_space<hbm>>
      %dma_wait3A_54 = arith.constant 0 : i32
      %dma_wait3A_55 = arith.constant 0 : i32
      %dma_wait3A_56 = tpu.memref_slice %arg3[%arg1, %dma_wait3A_54, %dma_wait3A_55] : memref<16x157x128xi32, #tpu.memory_space<hbm>> -> memref<1x157x128xi32, #tpu.memory_space<hbm>>
      %dma_wait3A_57 = tpu.memref_squeeze %dma_wait3A_56 : memref<1x157x128xi32, #tpu.memory_space<hbm>> -> memref<157x128xi32, #tpu.memory_space<hbm>>
      tpu.wait_dma2 semaphore(%run_scoped3A : memref<!tpu.dma_semaphore, #tpu.memory_space<semaphore_mem>>) src(%dma_wait3A_57 : memref<157x128xi32, #tpu.memory_space<hbm>>) dst(%arg7 : memref<157x128xi32, #tpu.memory_space<vmem>>)
      tpu.yield
    }) : () -> ()
    "tpu.region"() ({
      %run_scoped3A = tpu.sem_alloc : memref<!tpu.dma_semaphore, #tpu.memory_space<semaphore_mem>>
      %dma_start3A = arith.constant 0 : i32
      %dma_start3A_44 = arith.constant 0 : i32
      %dma_start3A_45 = tpu.memref_slice %arg4[%arg1, %dma_start3A, %dma_start3A_44] : memref<16x157x128xi32, #tpu.memory_space<hbm>> -> memref<1x157x128xi32, #tpu.memory_space<hbm>>
      %dma_start3A_46 = tpu.memref_squeeze %dma_start3A_45 : memref<1x157x128xi32, #tpu.memory_space<hbm>> -> memref<157x128xi32, #tpu.memory_space<hbm>>
      %dma_start3A_47 = arith.constant 0 : i32
      %dma_start3A_48 = arith.constant 0 : i32
      %dma_start3A_49 = tpu.memref_slice %arg4[%arg1, %dma_start3A_47, %dma_start3A_48] : memref<16x157x128xi32, #tpu.memory_space<hbm>> -> memref<1x157x128xi32, #tpu.memory_space<hbm>>
      %dma_start3A_50 = tpu.memref_squeeze %dma_start3A_49 : memref<1x157x128xi32, #tpu.memory_space<hbm>> -> memref<157x128xi32, #tpu.memory_space<hbm>>
      tpu.enqueue_dma source(%dma_start3A_50 : memref<157x128xi32, #tpu.memory_space<hbm>>) target(%arg8 : memref<157x128xi32, #tpu.memory_space<vmem>>) target_semaphore(%run_scoped3A : memref<!tpu.dma_semaphore, #tpu.memory_space<semaphore_mem>>)
      %dma_wait3A = arith.constant 0 : i32
      %dma_wait3A_51 = arith.constant 0 : i32
      %dma_wait3A_52 = tpu.memref_slice %arg4[%arg1, %dma_wait3A, %dma_wait3A_51] : memref<16x157x128xi32, #tpu.memory_space<hbm>> -> memref<1x157x128xi32, #tpu.memory_space<hbm>>
      %dma_wait3A_53 = tpu.memref_squeeze %dma_wait3A_52 : memref<1x157x128xi32, #tpu.memory_space<hbm>> -> memref<157x128xi32, #tpu.memory_space<hbm>>
      %dma_wait3A_54 = arith.constant 0 : i32
      %dma_wait3A_55 = arith.constant 0 : i32
      %dma_wait3A_56 = tpu.memref_slice %arg4[%arg1, %dma_wait3A_54, %dma_wait3A_55] : memref<16x157x128xi32, #tpu.memory_space<hbm>> -> memref<1x157x128xi32, #tpu.memory_space<hbm>>
      %dma_wait3A_57 = tpu.memref_squeeze %dma_wait3A_56 : memref<1x157x128xi32, #tpu.memory_space<hbm>> -> memref<157x128xi32, #tpu.memory_space<hbm>>
      tpu.wait_dma2 semaphore(%run_scoped3A : memref<!tpu.dma_semaphore, #tpu.memory_space<semaphore_mem>>) src(%dma_wait3A_57 : memref<157x128xi32, #tpu.memory_space<hbm>>) dst(%arg8 : memref<157x128xi32, #tpu.memory_space<vmem>>)
      tpu.yield
    }) : () -> ()
    %eq3A = arith.constant 0 : i32
    %eq3A_1 = arith.cmpi eq, %arg0, %eq3A : i32
    %convert_element_type3A = arith.extui %eq3A_1 : i1 to i32
    %cond3A = arith.constant 0 : i32
    %cond3A_2 = arith.cmpi ne, %convert_element_type3A, %cond3A : i32
    scf.if %cond3A_2 {
      %mul3A_44 = arith.constant 320 : i32
      %mul3A_45 = arith.muli %arg1, %mul3A_44 : i32
      %mul3A_46 = arith.constant 320 : i32
      %mul3A_47 = arith.muli %arg1, %mul3A_46 : i32
      "tpu.region"() ({
        %run_scoped3A = tpu.sem_alloc : memref<!tpu.dma_semaphore, #tpu.memory_space<semaphore_mem>>
        %dma_start3A = arith.constant 0 : i32
        %dma_start3A_48 = tpu.memref_slice %arg11[%mul3A_47, %dma_start3A] : memref<5128x128xf32, #tpu.memory_space<vmem_shared>> -> memref<320x128xf32, #tpu.memory_space<vmem_shared>>
        %dma_start3A_49 = arith.constant 0 : i32
        %dma_start3A_50 = tpu.memref_slice %arg5[%mul3A_45, %dma_start3A_49] : memref<10000x128xf32, #tpu.memory_space<hbm>> -> memref<320x128xf32, #tpu.memory_space<hbm>>
        tpu.enqueue_dma source(%dma_start3A_50 : memref<320x128xf32, #tpu.memory_space<hbm>>) target(%dma_start3A_48 : memref<320x128xf32, #tpu.memory_space<vmem_shared>>) target_semaphore(%run_scoped3A : memref<!tpu.dma_semaphore, #tpu.memory_space<semaphore_mem>>)
        %dma_wait3A = arith.constant 0 : i32
        %dma_wait3A_51 = tpu.memref_slice %arg11[%mul3A_47, %dma_wait3A] : memref<5128x128xf32, #tpu.memory_space<vmem_shared>> -> memref<320x128xf32, #tpu.memory_space<vmem_shared>>
        %dma_wait3A_52 = arith.constant 0 : i32
        %dma_wait3A_53 = tpu.memref_slice %arg5[%mul3A_45, %dma_wait3A_52] : memref<10000x128xf32, #tpu.memory_space<hbm>> -> memref<320x128xf32, #tpu.memory_space<hbm>>
        tpu.wait_dma2 semaphore(%run_scoped3A : memref<!tpu.dma_semaphore, #tpu.memory_space<semaphore_mem>>) src(%dma_wait3A_53 : memref<320x128xf32, #tpu.memory_space<hbm>>) dst(%dma_wait3A_51 : memref<320x128xf32, #tpu.memory_space<vmem_shared>>)
        tpu.yield
      }) : () -> ()
    } else {
    }
    %eq3A_3 = arith.constant 1 : i32
    %eq3A_4 = arith.cmpi eq, %arg0, %eq3A_3 : i32
    %lt3A = arith.constant 15 : i32
    %lt3A_5 = arith.cmpi slt, %arg1, %lt3A : i32
    %and3A = arith.andi %eq3A_4, %lt3A_5 : i1
    %convert_element_type3A_6 = arith.extui %and3A : i1 to i32
    %cond3A_7 = arith.constant 0 : i32
    %cond3A_8 = arith.cmpi ne, %convert_element_type3A_6, %cond3A_7 : i32
    scf.if %cond3A_8 {
      %mul3A_44 = arith.constant 304 : i32
      %mul3A_45 = arith.muli %arg1, %mul3A_44 : i32
      %add3A = arith.constant 5120 : i32
      %add3A_46 = arith.addi %add3A, %mul3A_45 : i32
      %mul3A_47 = arith.constant 304 : i32
      %mul3A_48 = arith.muli %arg1, %mul3A_47 : i32
      "tpu.region"() ({
        %run_scoped3A = tpu.sem_alloc : memref<!tpu.dma_semaphore, #tpu.memory_space<semaphore_mem>>
        %dma_start3A = arith.constant 0 : i32
        %dma_start3A_49 = tpu.memref_slice %arg11[%mul3A_48, %dma_start3A] : memref<5128x128xf32, #tpu.memory_space<vmem_shared>> -> memref<304x128xf32, #tpu.memory_space<vmem_shared>>
        %dma_start3A_50 = arith.constant 0 : i32
        %dma_start3A_51 = tpu.memref_slice %arg5[%add3A_46, %dma_start3A_50] : memref<10000x128xf32, #tpu.memory_space<hbm>> -> memref<304x128xf32, #tpu.memory_space<hbm>>
        tpu.enqueue_dma source(%dma_start3A_51 : memref<304x128xf32, #tpu.memory_space<hbm>>) target(%dma_start3A_49 : memref<304x128xf32, #tpu.memory_space<vmem_shared>>) target_semaphore(%run_scoped3A : memref<!tpu.dma_semaphore, #tpu.memory_space<semaphore_mem>>)
        %dma_wait3A = arith.constant 0 : i32
        %dma_wait3A_52 = tpu.memref_slice %arg11[%mul3A_48, %dma_wait3A] : memref<5128x128xf32, #tpu.memory_space<vmem_shared>> -> memref<304x128xf32, #tpu.memory_space<vmem_shared>>
        %dma_wait3A_53 = arith.constant 0 : i32
        %dma_wait3A_54 = tpu.memref_slice %arg5[%add3A_46, %dma_wait3A_53] : memref<10000x128xf32, #tpu.memory_space<hbm>> -> memref<304x128xf32, #tpu.memory_space<hbm>>
        tpu.wait_dma2 semaphore(%run_scoped3A : memref<!tpu.dma_semaphore, #tpu.memory_space<semaphore_mem>>) src(%dma_wait3A_54 : memref<304x128xf32, #tpu.memory_space<hbm>>) dst(%dma_wait3A_52 : memref<304x128xf32, #tpu.memory_space<vmem_shared>>)
        tpu.yield
      }) : () -> ()
    } else {
    }
    %eq3A_9 = arith.constant 1 : i32
    %eq3A_10 = arith.cmpi eq, %arg0, %eq3A_9 : i32
    %eq3A_11 = arith.constant 15 : i32
    %eq3A_12 = arith.cmpi eq, %arg1, %eq3A_11 : i32
    %and3A_13 = arith.andi %eq3A_10, %eq3A_12 : i1
    %convert_element_type3A_14 = arith.extui %and3A_13 : i1 to i32
    %cond3A_15 = arith.constant 0 : i32
    %cond3A_16 = arith.cmpi ne, %convert_element_type3A_14, %cond3A_15 : i32
    scf.if %cond3A_16 {
      "tpu.region"() ({
        %run_scoped3A = tpu.sem_alloc : memref<!tpu.dma_semaphore, #tpu.memory_space<semaphore_mem>>
        %dma_start3A = arith.constant 4560 : i32
        %dma_start3A_44 = arith.constant 0 : i32
        %dma_start3A_45 = tpu.memref_slice %arg11[%dma_start3A, %dma_start3A_44] : memref<5128x128xf32, #tpu.memory_space<vmem_shared>> -> memref<320x128xf32, #tpu.memory_space<vmem_shared>>
        %dma_start3A_46 = arith.constant 9680 : i32
        %dma_start3A_47 = arith.constant 0 : i32
        %dma_start3A_48 = tpu.memref_slice %arg5[%dma_start3A_46, %dma_start3A_47] : memref<10000x128xf32, #tpu.memory_space<hbm>> -> memref<320x128xf32, #tpu.memory_space<hbm>>
        tpu.enqueue_dma source(%dma_start3A_48 : memref<320x128xf32, #tpu.memory_space<hbm>>) target(%dma_start3A_45 : memref<320x128xf32, #tpu.memory_space<vmem_shared>>) target_semaphore(%run_scoped3A : memref<!tpu.dma_semaphore, #tpu.memory_space<semaphore_mem>>)
        %dma_wait3A = arith.constant 4560 : i32
        %dma_wait3A_49 = arith.constant 0 : i32
        %dma_wait3A_50 = tpu.memref_slice %arg11[%dma_wait3A, %dma_wait3A_49] : memref<5128x128xf32, #tpu.memory_space<vmem_shared>> -> memref<320x128xf32, #tpu.memory_space<vmem_shared>>
        %dma_wait3A_51 = arith.constant 9680 : i32
        %dma_wait3A_52 = arith.constant 0 : i32
        %dma_wait3A_53 = tpu.memref_slice %arg5[%dma_wait3A_51, %dma_wait3A_52] : memref<10000x128xf32, #tpu.memory_space<hbm>> -> memref<320x128xf32, #tpu.memory_space<hbm>>
        tpu.wait_dma2 semaphore(%run_scoped3A : memref<!tpu.dma_semaphore, #tpu.memory_space<semaphore_mem>>) src(%dma_wait3A_53 : memref<320x128xf32, #tpu.memory_space<hbm>>) dst(%dma_wait3A_50 : memref<320x128xf32, #tpu.memory_space<vmem_shared>>)
        tpu.yield
      }) : () -> ()
    } else {
    }
    %barrier3A = arith.constant 0 : index
    tpu.barrier barrier_id(%barrier3A)
    %scan3A = arith.constant 0 : i32
    %scan3A_17 = arith.constant 0 : i32
    %scan3A_18 = arith.constant 157 : i32
    %scan3A_19 = arith.addi %scan3A_17, %scan3A_18 : i32
    %scan3A_20 = arith.constant 1 : i32
    scf.for %scan3A_44 = %scan3A_17 to %scan3A_19 step %scan3A_20  : i32 {
      %dma_start3A = arith.constant 0 : i32
      %dma_start3A_45 = tpu.memref_slice %arg7[%scan3A_44, %dma_start3A] : memref<157x128xi32, #tpu.memory_space<vmem>> -> memref<1x128xi32, #tpu.memory_space<vmem>>
      %dma_start3A_46 = tpu.memref_squeeze %dma_start3A_45 : memref<1x128xi32, #tpu.memory_space<vmem>> -> memref<128xi32, #tpu.memory_space<vmem>>
      %dma_start3A_47 = arith.constant 0 : i32
      %dma_start3A_48 = arith.constant 0 : i32
      %dma_start3A_49 = tpu.memref_slice %arg2[%dma_start3A_47, %dma_start3A_48] : memref<10000x128xf32, #tpu.memory_space<hbm>> -> memref<10000x128xf32, #tpu.memory_space<hbm>>
      tpu.enqueue_indirect_dma source(%dma_start3A_49 : memref<10000x128xf32, #tpu.memory_space<hbm>>) target(%arg10 : memref<128x128xf32, #tpu.memory_space<vmem>>) offsets(%dma_start3A_46 : memref<128xi32, #tpu.memory_space<vmem>>) semaphore(%arg12 : memref<!tpu.dma_semaphore, #tpu.memory_space<semaphore_mem>>)
      %get3A = arith.index_cast %scan3A_44 : i32 to index
      %get3A_50 = arith.constant 0 : index
      %get3A_51 = tpu.vector_load %arg8[%get3A, %get3A_50] {strides = array<i32>} : memref<157x128xi32, #tpu.memory_space<vmem>>, vector<1x16xi32>,
      %get3A_52 = vector.shape_cast %get3A_51 : vector<1x16xi32> to vector<16xi32>
      %sub3A = vector.broadcast %mul3A_0 : i32 to vector<16xi32>
      %sub3A_53 = arith.subi %get3A_52, %sub3A : vector<16xi32>
      %ge3A = arith.constant 0 : i32
      %ge3A_54 = vector.broadcast %ge3A : i32 to vector<16xi32>
      %ge3A_55 = arith.cmpi sge, %sub3A_53, %ge3A_54 : vector<16xi32>
      %lt3A_56 = arith.constant 5120 : i32
      %lt3A_57 = vector.broadcast %lt3A_56 : i32 to vector<16xi32>
      %lt3A_58 = arith.cmpi slt, %sub3A_53, %lt3A_57 : vector<16xi32>
      %and3A_59 = arith.andi %ge3A_55, %lt3A_58 : vector<16xi1>
      %jit3A = arith.constant 5120 : i32
      %broadcast_in_dim3A = vector.broadcast %jit3A : i32 to vector<16xi32>
      %select_n3A = arith.select %and3A_59, %sub3A_53, %broadcast_in_dim3A : vector<16xi1>, vector<16xi32>
      %swap3A = arith.constant 0 : i32
      %swap3A_60 = arith.index_cast %swap3A : i32 to index
      %swap3A_61 = arith.constant 0 : index
      %swap3A_62 = tpu.vector_load %arg9[%swap3A_60, %swap3A_61] {strides = array<i32>} : memref<1x128xi32, #tpu.memory_space<vmem>>, vector<1x16xi32>,
      %swap3A_63 = vector.shape_cast %swap3A_62 : vector<1x16xi32> to vector<16xi32>
      %swap3A_64 = vector.shape_cast %select_n3A : vector<16xi32> to vector<1x16xi32>
      tpu.vector_store %arg9[%swap3A_60, %swap3A_61], %swap3A_64 {strides = array<i32>} : memref<1x128xi32, #tpu.memory_space<vmem>>, vector<1x16xi32>,
      %get3A_65 = arith.index_cast %scan3A_44 : i32 to index
      %get3A_66 = arith.constant 16 : index
      %get3A_67 = tpu.vector_load %arg8[%get3A_65, %get3A_66] {strides = array<i32>} : memref<157x128xi32, #tpu.memory_space<vmem>>, vector<1x16xi32>,
      %get3A_68 = vector.shape_cast %get3A_67 : vector<1x16xi32> to vector<16xi32>
      %sub3A_69 = vector.broadcast %mul3A_0 : i32 to vector<16xi32>
      %sub3A_70 = arith.subi %get3A_68, %sub3A_69 : vector<16xi32>
      %ge3A_71 = arith.constant 0 : i32
      %ge3A_72 = vector.broadcast %ge3A_71 : i32 to vector<16xi32>
      %ge3A_73 = arith.cmpi sge, %sub3A_70, %ge3A_72 : vector<16xi32>
      %lt3A_74 = arith.constant 5120 : i32
      %lt3A_75 = vector.broadcast %lt3A_74 : i32 to vector<16xi32>
      %lt3A_76 = arith.cmpi slt, %sub3A_70, %lt3A_75 : vector<16xi32>
      %and3A_77 = arith.andi %ge3A_73, %lt3A_76 : vector<16xi1>
      %jit3A_78 = arith.constant 5120 : i32
      %broadcast_in_dim3A_79 = vector.broadcast %jit3A_78 : i32 to vector<16xi32>
      %select_n3A_80 = arith.select %and3A_77, %sub3A_70, %broadcast_in_dim3A_79 : vector<16xi1>, vector<16xi32>
      %swap3A_81 = arith.constant 0 : i32
      %swap3A_82 = arith.index_cast %swap3A_81 : i32 to index
      %swap3A_83 = arith.constant 16 : index
      %swap3A_84 = tpu.vector_load %arg9[%swap3A_82, %swap3A_83] {strides = array<i32>} : memref<1x128xi32, #tpu.memory_space<vmem>>, vector<1x16xi32>,
      %swap3A_85 = vector.shape_cast %swap3A_84 : vector<1x16xi32> to vector<16xi32>
      %swap3A_86 = vector.shape_cast %select_n3A_80 : vector<16xi32> to vector<1x16xi32>
      tpu.vector_store %arg9[%swap3A_82, %swap3A_83], %swap3A_86 {strides = array<i32>} : memref<1x128xi32, #tpu.memory_space<vmem>>, vector<1x16xi32>,
      %get3A_87 = arith.index_cast %scan3A_44 : i32 to index
      %get3A_88 = arith.constant 32 : index
      %get3A_89 = tpu.vector_load %arg8[%get3A_87, %get3A_88] {strides = array<i32>} : memref<157x128xi32, #tpu.memory_space<vmem>>, vector<1x16xi32>,
      %get3A_90 = vector.shape_cast %get3A_89 : vector<1x16xi32> to vector<16xi32>
      %sub3A_91 = vector.broadcast %mul3A_0 : i32 to vector<16xi32>
      %sub3A_92 = arith.subi %get3A_90, %sub3A_91 : vector<16xi32>
      %ge3A_93 = arith.constant 0 : i32
      %ge3A_94 = vector.broadcast %ge3A_93 : i32 to vector<16xi32>
      %ge3A_95 = arith.cmpi sge, %sub3A_92, %ge3A_94 : vector<16xi32>
      %lt3A_96 = arith.constant 5120 : i32
      %lt3A_97 = vector.broadcast %lt3A_96 : i32 to vector<16xi32>
      %lt3A_98 = arith.cmpi slt, %sub3A_92, %lt3A_97 : vector<16xi32>
      %and3A_99 = arith.andi %ge3A_95, %lt3A_98 : vector<16xi1>
      %jit3A_100 = arith.constant 5120 : i32
      %broadcast_in_dim3A_101 = vector.broadcast %jit3A_100 : i32 to vector<16xi32>
      %select_n3A_102 = arith.select %and3A_99, %sub3A_92, %broadcast_in_dim3A_101 : vector<16xi1>, vector<16xi32>
      %swap3A_103 = arith.constant 0 : i32
      %swap3A_104 = arith.index_cast %swap3A_103 : i32 to index
      %swap3A_105 = arith.constant 32 : index
      %swap3A_106 = tpu.vector_load %arg9[%swap3A_104, %swap3A_105] {strides = array<i32>} : memref<1x128xi32, #tpu.memory_space<vmem>>, vector<1x16xi32>,
      %swap3A_107 = vector.shape_cast %swap3A_106 : vector<1x16xi32> to vector<16xi32>
      %swap3A_108 = vector.shape_cast %select_n3A_102 : vector<16xi32> to vector<1x16xi32>
      tpu.vector_store %arg9[%swap3A_104, %swap3A_105], %swap3A_108 {strides = array<i32>} : memref<1x128xi32, #tpu.memory_space<vmem>>, vector<1x16xi32>,
      %get3A_109 = arith.index_cast %scan3A_44 : i32 to index
      %get3A_110 = arith.constant 48 : index
      %get3A_111 = tpu.vector_load %arg8[%get3A_109, %get3A_110] {strides = array<i32>} : memref<157x128xi32, #tpu.memory_space<vmem>>, vector<1x16xi32>,
      %get3A_112 = vector.shape_cast %get3A_111 : vector<1x16xi32> to vector<16xi32>
      %sub3A_113 = vector.broadcast %mul3A_0 : i32 to vector<16xi32>
      %sub3A_114 = arith.subi %get3A_112, %sub3A_113 : vector<16xi32>
      %ge3A_115 = arith.constant 0 : i32
      %ge3A_116 = vector.broadcast %ge3A_115 : i32 to vector<16xi32>
      %ge3A_117 = arith.cmpi sge, %sub3A_114, %ge3A_116 : vector<16xi32>
      %lt3A_118 = arith.constant 5120 : i32
      %lt3A_119 = vector.broadcast %lt3A_118 : i32 to vector<16xi32>
      %lt3A_120 = arith.cmpi slt, %sub3A_114, %lt3A_119 : vector<16xi32>
      %and3A_121 = arith.andi %ge3A_117, %lt3A_120 : vector<16xi1>
      %jit3A_122 = arith.constant 5120 : i32
      %broadcast_in_dim3A_123 = vector.broadcast %jit3A_122 : i32 to vector<16xi32>
      %select_n3A_124 = arith.select %and3A_121, %sub3A_114, %broadcast_in_dim3A_123 : vector<16xi1>, vector<16xi32>
      %swap3A_125 = arith.constant 0 : i32
      %swap3A_126 = arith.index_cast %swap3A_125 : i32 to index
      %swap3A_127 = arith.constant 48 : index
      %swap3A_128 = tpu.vector_load %arg9[%swap3A_126, %swap3A_127] {strides = array<i32>} : memref<1x128xi32, #tpu.memory_space<vmem>>, vector<1x16xi32>,
      %swap3A_129 = vector.shape_cast %swap3A_128 : vector<1x16xi32> to vector<16xi32>
      %swap3A_130 = vector.shape_cast %select_n3A_124 : vector<16xi32> to vector<1x16xi32>
      tpu.vector_store %arg9[%swap3A_126, %swap3A_127], %swap3A_130 {strides = array<i32>} : memref<1x128xi32, #tpu.memory_space<vmem>>, vector<1x16xi32>,
      %get3A_131 = arith.index_cast %scan3A_44 : i32 to index
      %get3A_132 = arith.constant 64 : index
      %get3A_133 = tpu.vector_load %arg8[%get3A_131, %get3A_132] {strides = array<i32>} : memref<157x128xi32, #tpu.memory_space<vmem>>, vector<1x16xi32>,
      %get3A_134 = vector.shape_cast %get3A_133 : vector<1x16xi32> to vector<16xi32>
      %sub3A_135 = vector.broadcast %mul3A_0 : i32 to vector<16xi32>
      %sub3A_136 = arith.subi %get3A_134, %sub3A_135 : vector<16xi32>
      %ge3A_137 = arith.constant 0 : i32
      %ge3A_138 = vector.broadcast %ge3A_137 : i32 to vector<16xi32>
      %ge3A_139 = arith.cmpi sge, %sub3A_136, %ge3A_138 : vector<16xi32>
      %lt3A_140 = arith.constant 5120 : i32
      %lt3A_141 = vector.broadcast %lt3A_140 : i32 to vector<16xi32>
      %lt3A_142 = arith.cmpi slt, %sub3A_136, %lt3A_141 : vector<16xi32>
      %and3A_143 = arith.andi %ge3A_139, %lt3A_142 : vector<16xi1>
      %jit3A_144 = arith.constant 5120 : i32
      %broadcast_in_dim3A_145 = vector.broadcast %jit3A_144 : i32 to vector<16xi32>
      %select_n3A_146 = arith.select %and3A_143, %sub3A_136, %broadcast_in_dim3A_145 : vector<16xi1>, vector<16xi32>
      %swap3A_147 = arith.constant 0 : i32
      %swap3A_148 = arith.index_cast %swap3A_147 : i32 to index
      %swap3A_149 = arith.constant 64 : index
      %swap3A_150 = tpu.vector_load %arg9[%swap3A_148, %swap3A_149] {strides = array<i32>} : memref<1x128xi32, #tpu.memory_space<vmem>>, vector<1x16xi32>,
      %swap3A_151 = vector.shape_cast %swap3A_150 : vector<1x16xi32> to vector<16xi32>
      %swap3A_152 = vector.shape_cast %select_n3A_146 : vector<16xi32> to vector<1x16xi32>
      tpu.vector_store %arg9[%swap3A_148, %swap3A_149], %swap3A_152 {strides = array<i32>} : memref<1x128xi32, #tpu.memory_space<vmem>>, vector<1x16xi32>,
      %get3A_153 = arith.index_cast %scan3A_44 : i32 to index
      %get3A_154 = arith.constant 80 : index
      %get3A_155 = tpu.vector_load %arg8[%get3A_153, %get3A_154] {strides = array<i32>} : memref<157x128xi32, #tpu.memory_space<vmem>>, vector<1x16xi32>,
      %get3A_156 = vector.shape_cast %get3A_155 : vector<1x16xi32> to vector<16xi32>
      %sub3A_157 = vector.broadcast %mul3A_0 : i32 to vector<16xi32>
      %sub3A_158 = arith.subi %get3A_156, %sub3A_157 : vector<16xi32>
      %ge3A_159 = arith.constant 0 : i32
      %ge3A_160 = vector.broadcast %ge3A_159 : i32 to vector<16xi32>
      %ge3A_161 = arith.cmpi sge, %sub3A_158, %ge3A_160 : vector<16xi32>
      %lt3A_162 = arith.constant 5120 : i32
      %lt3A_163 = vector.broadcast %lt3A_162 : i32 to vector<16xi32>
      %lt3A_164 = arith.cmpi slt, %sub3A_158, %lt3A_163 : vector<16xi32>
      %and3A_165 = arith.andi %ge3A_161, %lt3A_164 : vector<16xi1>
      %jit3A_166 = arith.constant 5120 : i32
      %broadcast_in_dim3A_167 = vector.broadcast %jit3A_166 : i32 to vector<16xi32>
      %select_n3A_168 = arith.select %and3A_165, %sub3A_158, %broadcast_in_dim3A_167 : vector<16xi1>, vector<16xi32>
      %swap3A_169 = arith.constant 0 : i32
      %swap3A_170 = arith.index_cast %swap3A_169 : i32 to index
      %swap3A_171 = arith.constant 80 : index
      %swap3A_172 = tpu.vector_load %arg9[%swap3A_170, %swap3A_171] {strides = array<i32>} : memref<1x128xi32, #tpu.memory_space<vmem>>, vector<1x16xi32>,
      %swap3A_173 = vector.shape_cast %swap3A_172 : vector<1x16xi32> to vector<16xi32>
      %swap3A_174 = vector.shape_cast %select_n3A_168 : vector<16xi32> to vector<1x16xi32>
      tpu.vector_store %arg9[%swap3A_170, %swap3A_171], %swap3A_174 {strides = array<i32>} : memref<1x128xi32, #tpu.memory_space<vmem>>, vector<1x16xi32>,
      %get3A_175 = arith.index_cast %scan3A_44 : i32 to index
      %get3A_176 = arith.constant 96 : index
      %get3A_177 = tpu.vector_load %arg8[%get3A_175, %get3A_176] {strides = array<i32>} : memref<157x128xi32, #tpu.memory_space<vmem>>, vector<1x16xi32>,
      %get3A_178 = vector.shape_cast %get3A_177 : vector<1x16xi32> to vector<16xi32>
      %sub3A_179 = vector.broadcast %mul3A_0 : i32 to vector<16xi32>
      %sub3A_180 = arith.subi %get3A_178, %sub3A_179 : vector<16xi32>
      %ge3A_181 = arith.constant 0 : i32
      %ge3A_182 = vector.broadcast %ge3A_181 : i32 to vector<16xi32>
      %ge3A_183 = arith.cmpi sge, %sub3A_180, %ge3A_182 : vector<16xi32>
      %lt3A_184 = arith.constant 5120 : i32
      %lt3A_185 = vector.broadcast %lt3A_184 : i32 to vector<16xi32>
      %lt3A_186 = arith.cmpi slt, %sub3A_180, %lt3A_185 : vector<16xi32>
      %and3A_187 = arith.andi %ge3A_183, %lt3A_186 : vector<16xi1>
      %jit3A_188 = arith.constant 5120 : i32
      %broadcast_in_dim3A_189 = vector.broadcast %jit3A_188 : i32 to vector<16xi32>
      %select_n3A_190 = arith.select %and3A_187, %sub3A_180, %broadcast_in_dim3A_189 : vector<16xi1>, vector<16xi32>
      %swap3A_191 = arith.constant 0 : i32
      %swap3A_192 = arith.index_cast %swap3A_191 : i32 to index
      %swap3A_193 = arith.constant 96 : index
      %swap3A_194 = tpu.vector_load %arg9[%swap3A_192, %swap3A_193] {strides = array<i32>} : memref<1x128xi32, #tpu.memory_space<vmem>>, vector<1x16xi32>,
      %swap3A_195 = vector.shape_cast %swap3A_194 : vector<1x16xi32> to vector<16xi32>
      %swap3A_196 = vector.shape_cast %select_n3A_190 : vector<16xi32> to vector<1x16xi32>
      tpu.vector_store %arg9[%swap3A_192, %swap3A_193], %swap3A_196 {strides = array<i32>} : memref<1x128xi32, #tpu.memory_space<vmem>>, vector<1x16xi32>,
      %get3A_197 = arith.index_cast %scan3A_44 : i32 to index
      %get3A_198 = arith.constant 112 : index
      %get3A_199 = tpu.vector_load %arg8[%get3A_197, %get3A_198] {strides = array<i32>} : memref<157x128xi32, #tpu.memory_space<vmem>>, vector<1x16xi32>,
      %get3A_200 = vector.shape_cast %get3A_199 : vector<1x16xi32> to vector<16xi32>
      %sub3A_201 = vector.broadcast %mul3A_0 : i32 to vector<16xi32>
      %sub3A_202 = arith.subi %get3A_200, %sub3A_201 : vector<16xi32>
      %ge3A_203 = arith.constant 0 : i32
      %ge3A_204 = vector.broadcast %ge3A_203 : i32 to vector<16xi32>
      %ge3A_205 = arith.cmpi sge, %sub3A_202, %ge3A_204 : vector<16xi32>
      %lt3A_206 = arith.constant 5120 : i32
      %lt3A_207 = vector.broadcast %lt3A_206 : i32 to vector<16xi32>
      %lt3A_208 = arith.cmpi slt, %sub3A_202, %lt3A_207 : vector<16xi32>
      %and3A_209 = arith.andi %ge3A_205, %lt3A_208 : vector<16xi1>
      %jit3A_210 = arith.constant 5120 : i32
      %broadcast_in_dim3A_211 = vector.broadcast %jit3A_210 : i32 to vector<16xi32>
      %select_n3A_212 = arith.select %and3A_209, %sub3A_202, %broadcast_in_dim3A_211 : vector<16xi1>, vector<16xi32>
      %swap3A_213 = arith.constant 0 : i32
      %swap3A_214 = arith.index_cast %swap3A_213 : i32 to index
      %swap3A_215 = arith.constant 112 : index
      %swap3A_216 = tpu.vector_load %arg9[%swap3A_214, %swap3A_215] {strides = array<i32>} : memref<1x128xi32, #tpu.memory_space<vmem>>, vector<1x16xi32>,
      %swap3A_217 = vector.shape_cast %swap3A_216 : vector<1x16xi32> to vector<16xi32>
      %swap3A_218 = vector.shape_cast %select_n3A_212 : vector<16xi32> to vector<1x16xi32>
      tpu.vector_store %arg9[%swap3A_214, %swap3A_215], %swap3A_218 {strides = array<i32>} : memref<1x128xi32, #tpu.memory_space<vmem>>, vector<1x16xi32>,
      %dma_wait3A = arith.constant 0 : i32
      %dma_wait3A_219 = tpu.memref_slice %arg7[%scan3A_44, %dma_wait3A] : memref<157x128xi32, #tpu.memory_space<vmem>> -> memref<1x128xi32, #tpu.memory_space<vmem>>
      %dma_wait3A_220 = tpu.memref_squeeze %dma_wait3A_219 : memref<1x128xi32, #tpu.memory_space<vmem>> -> memref<128xi32, #tpu.memory_space<vmem>>
      %dma_wait3A_221 = arith.constant 0 : i32
      %dma_wait3A_222 = arith.constant 0 : i32
      %dma_wait3A_223 = tpu.memref_slice %arg2[%dma_wait3A_221, %dma_wait3A_222] : memref<10000x128xf32, #tpu.memory_space<hbm>> -> memref<10000x128xf32, #tpu.memory_space<hbm>>
      tpu.wait_indirect_dma semaphore(%arg12 : memref<!tpu.dma_semaphore, #tpu.memory_space<semaphore_mem>>) src(%dma_wait3A_223 : memref<10000x128xf32, #tpu.memory_space<hbm>>) dst(%arg10 : memref<128x128xf32, #tpu.memory_space<vmem>>)
      %run_scoped3A = arith.constant 0 : i32
      "tpu.region"() ({
        %run_scoped3A_224 = tpu.sem_alloc : memref<!tpu.dma_semaphore, #tpu.memory_space<semaphore_mem>>
        %dma_start3A_225 = arith.constant 0 : i32
        %dma_start3A_226 = tpu.memref_slice %arg9[%run_scoped3A, %dma_start3A_225] : memref<1x128xi32, #tpu.memory_space<vmem>> -> memref<1x128xi32, #tpu.memory_space<vmem>>
        %dma_start3A_227 = tpu.memref_squeeze %dma_start3A_226 : memref<1x128xi32, #tpu.memory_space<vmem>> -> memref<128xi32, #tpu.memory_space<vmem>>
        %dma_start3A_228 = arith.constant 0 : i32
        %dma_start3A_229 = arith.constant 0 : i32
        %dma_start3A_230 = tpu.memref_slice %arg11[%dma_start3A_228, %dma_start3A_229] : memref<5128x128xf32, #tpu.memory_space<vmem_shared>> -> memref<5128x128xf32, #tpu.memory_space<vmem_shared>>
        tpu.enqueue_indirect_dma source(%arg10 : memref<128x128xf32, #tpu.memory_space<vmem>>) target(%dma_start3A_230 : memref<5128x128xf32, #tpu.memory_space<vmem_shared>>) offsets(%dma_start3A_227 : memref<128xi32, #tpu.memory_space<vmem>>) semaphore(%run_scoped3A_224 : memref<!tpu.dma_semaphore, #tpu.memory_space<semaphore_mem>>) {add = true}
        %dma_wait3A_231 = arith.constant 0 : i32
        %dma_wait3A_232 = tpu.memref_slice %arg9[%run_scoped3A, %dma_wait3A_231] : memref<1x128xi32, #tpu.memory_space<vmem>> -> memref<1x128xi32, #tpu.memory_space<vmem>>
        %dma_wait3A_233 = tpu.memref_squeeze %dma_wait3A_232 : memref<1x128xi32, #tpu.memory_space<vmem>> -> memref<128xi32, #tpu.memory_space<vmem>>
        %dma_wait3A_234 = arith.constant 0 : i32
        %dma_wait3A_235 = arith.constant 0 : i32
        %dma_wait3A_236 = tpu.memref_slice %arg11[%dma_wait3A_234, %dma_wait3A_235] : memref<5128x128xf32, #tpu.memory_space<vmem_shared>> -> memref<5128x128xf32, #tpu.memory_space<vmem_shared>>
        tpu.wait_indirect_dma semaphore(%run_scoped3A_224 : memref<!tpu.dma_semaphore, #tpu.memory_space<semaphore_mem>>) src(%arg10 : memref<128x128xf32, #tpu.memory_space<vmem>>) dst(%dma_wait3A_236 : memref<5128x128xf32, #tpu.memory_space<vmem_shared>>)
        tpu.yield
      }) : () -> ()
    }
    %scan3A_21 = arith.constant 157 : i32
    %barrier3A_22 = arith.constant 0 : index
    tpu.barrier barrier_id(%barrier3A_22)
    %eq3A_23 = arith.constant 0 : i32
    %eq3A_24 = arith.cmpi eq, %arg0, %eq3A_23 : i32
    %convert_element_type3A_25 = arith.extui %eq3A_24 : i1 to i32
    %cond3A_26 = arith.constant 0 : i32
    %cond3A_27 = arith.cmpi ne, %convert_element_type3A_25, %cond3A_26 : i32
    scf.if %cond3A_27 {
      %mul3A_44 = arith.constant 320 : i32
      %mul3A_45 = arith.muli %arg1, %mul3A_44 : i32
      %mul3A_46 = arith.constant 320 : i32
      %mul3A_47 = arith.muli %arg1, %mul3A_46 : i32
      "tpu.region"() ({
        %run_scoped3A = tpu.sem_alloc : memref<!tpu.dma_semaphore, #tpu.memory_space<semaphore_mem>>
        %dma_start3A = arith.constant 0 : i32
        %dma_start3A_48 = tpu.memref_slice %arg6[%mul3A_47, %dma_start3A] : memref<10000x128xf32, #tpu.memory_space<hbm>> -> memref<320x128xf32, #tpu.memory_space<hbm>>
        %dma_start3A_49 = arith.constant 0 : i32
        %dma_start3A_50 = tpu.memref_slice %arg11[%mul3A_45, %dma_start3A_49] : memref<5128x128xf32, #tpu.memory_space<vmem_shared>> -> memref<320x128xf32, #tpu.memory_space<vmem_shared>>
        tpu.enqueue_dma source(%dma_start3A_50 : memref<320x128xf32, #tpu.memory_space<vmem_shared>>) target(%dma_start3A_48 : memref<320x128xf32, #tpu.memory_space<hbm>>) target_semaphore(%run_scoped3A : memref<!tpu.dma_semaphore, #tpu.memory_space<semaphore_mem>>)
        %dma_wait3A = arith.constant 0 : i32
        %dma_wait3A_51 = tpu.memref_slice %arg6[%mul3A_47, %dma_wait3A] : memref<10000x128xf32, #tpu.memory_space<hbm>> -> memref<320x128xf32, #tpu.memory_space<hbm>>
        %dma_wait3A_52 = arith.constant 0 : i32
        %dma_wait3A_53 = tpu.memref_slice %arg11[%mul3A_45, %dma_wait3A_52] : memref<5128x128xf32, #tpu.memory_space<vmem_shared>> -> memref<320x128xf32, #tpu.memory_space<vmem_shared>>
        tpu.wait_dma2 semaphore(%run_scoped3A : memref<!tpu.dma_semaphore, #tpu.memory_space<semaphore_mem>>) src(%dma_wait3A_53 : memref<320x128xf32, #tpu.memory_space<vmem_shared>>) dst(%dma_wait3A_51 : memref<320x128xf32, #tpu.memory_space<hbm>>)
        tpu.yield
      }) : () -> ()
    } else {
    }
    %eq3A_28 = arith.constant 1 : i32
    %eq3A_29 = arith.cmpi eq, %arg0, %eq3A_28 : i32
    %lt3A_30 = arith.constant 15 : i32
    %lt3A_31 = arith.cmpi slt, %arg1, %lt3A_30 : i32
    %and3A_32 = arith.andi %eq3A_29, %lt3A_31 : i1
    %convert_element_type3A_33 = arith.extui %and3A_32 : i1 to i32
    %cond3A_34 = arith.constant 0 : i32
    %cond3A_35 = arith.cmpi ne, %convert_element_type3A_33, %cond3A_34 : i32
    scf.if %cond3A_35 {
      %mul3A_44 = arith.constant 304 : i32
      %mul3A_45 = arith.muli %arg1, %mul3A_44 : i32
      %mul3A_46 = arith.constant 304 : i32
      %mul3A_47 = arith.muli %arg1, %mul3A_46 : i32
      %add3A = arith.constant 5120 : i32
      %add3A_48 = arith.addi %add3A, %mul3A_47 : i32
      "tpu.region"() ({
        %run_scoped3A = tpu.sem_alloc : memref<!tpu.dma_semaphore, #tpu.memory_space<semaphore_mem>>
        %dma_start3A = arith.constant 0 : i32
        %dma_start3A_49 = tpu.memref_slice %arg6[%add3A_48, %dma_start3A] : memref<10000x128xf32, #tpu.memory_space<hbm>> -> memref<304x128xf32, #tpu.memory_space<hbm>>
        %dma_start3A_50 = arith.constant 0 : i32
        %dma_start3A_51 = tpu.memref_slice %arg11[%mul3A_45, %dma_start3A_50] : memref<5128x128xf32, #tpu.memory_space<vmem_shared>> -> memref<304x128xf32, #tpu.memory_space<vmem_shared>>
        tpu.enqueue_dma source(%dma_start3A_51 : memref<304x128xf32, #tpu.memory_space<vmem_shared>>) target(%dma_start3A_49 : memref<304x128xf32, #tpu.memory_space<hbm>>) target_semaphore(%run_scoped3A : memref<!tpu.dma_semaphore, #tpu.memory_space<semaphore_mem>>)
        %dma_wait3A = arith.constant 0 : i32
        %dma_wait3A_52 = tpu.memref_slice %arg6[%add3A_48, %dma_wait3A] : memref<10000x128xf32, #tpu.memory_space<hbm>> -> memref<304x128xf32, #tpu.memory_space<hbm>>
        %dma_wait3A_53 = arith.constant 0 : i32
        %dma_wait3A_54 = tpu.memref_slice %arg11[%mul3A_45, %dma_wait3A_53] : memref<5128x128xf32, #tpu.memory_space<vmem_shared>> -> memref<304x128xf32, #tpu.memory_space<vmem_shared>>
        tpu.wait_dma2 semaphore(%run_scoped3A : memref<!tpu.dma_semaphore, #tpu.memory_space<semaphore_mem>>) src(%dma_wait3A_54 : memref<304x128xf32, #tpu.memory_space<vmem_shared>>) dst(%dma_wait3A_52 : memref<304x128xf32, #tpu.memory_space<hbm>>)
        tpu.yield
      }) : () -> ()
    } else {
    }
    %eq3A_36 = arith.constant 1 : i32
    %eq3A_37 = arith.cmpi eq, %arg0, %eq3A_36 : i32
    %eq3A_38 = arith.constant 15 : i32
    %eq3A_39 = arith.cmpi eq, %arg1, %eq3A_38 : i32
    %and3A_40 = arith.andi %eq3A_37, %eq3A_39 : i1
    %convert_element_type3A_41 = arith.extui %and3A_40 : i1 to i32
    %cond3A_42 = arith.constant 0 : i32
    %cond3A_43 = arith.cmpi ne, %convert_element_type3A_41, %cond3A_42 : i32
    scf.if %cond3A_43 {
      "tpu.region"() ({
        %run_scoped3A = tpu.sem_alloc : memref<!tpu.dma_semaphore, #tpu.memory_space<semaphore_mem>>
        %dma_start3A = arith.constant 9680 : i32
        %dma_start3A_44 = arith.constant 0 : i32
        %dma_start3A_45 = tpu.memref_slice %arg6[%dma_start3A, %dma_start3A_44] : memref<10000x128xf32, #tpu.memory_space<hbm>> -> memref<320x128xf32, #tpu.memory_space<hbm>>
        %dma_start3A_46 = arith.constant 4560 : i32
        %dma_start3A_47 = arith.constant 0 : i32
        %dma_start3A_48 = tpu.memref_slice %arg11[%dma_start3A_46, %dma_start3A_47] : memref<5128x128xf32, #tpu.memory_space<vmem_shared>> -> memref<320x128xf32, #tpu.memory_space<vmem_shared>>
        tpu.enqueue_dma source(%dma_start3A_48 : memref<320x128xf32, #tpu.memory_space<vmem_shared>>) target(%dma_start3A_45 : memref<320x128xf32, #tpu.memory_space<hbm>>) target_semaphore(%run_scoped3A : memref<!tpu.dma_semaphore, #tpu.memory_space<semaphore_mem>>)
        %dma_wait3A = arith.constant 9680 : i32
        %dma_wait3A_49 = arith.constant 0 : i32
        %dma_wait3A_50 = tpu.memref_slice %arg6[%dma_wait3A, %dma_wait3A_49] : memref<10000x128xf32, #tpu.memory_space<hbm>> -> memref<320x128xf32, #tpu.memory_space<hbm>>
        %dma_wait3A_51 = arith.constant 4560 : i32
        %dma_wait3A_52 = arith.constant 0 : i32
        %dma_wait3A_53 = tpu.memref_slice %arg11[%dma_wait3A_51, %dma_wait3A_52] : memref<5128x128xf32, #tpu.memory_space<vmem_shared>> -> memref<320x128xf32, #tpu.memory_space<vmem_shared>>
        tpu.wait_dma2 semaphore(%run_scoped3A : memref<!tpu.dma_semaphore, #tpu.memory_space<semaphore_mem>>) src(%dma_wait3A_53 : memref<320x128xf32, #tpu.memory_space<vmem_shared>>) dst(%dma_wait3A_50 : memref<320x128xf32, #tpu.memory_space<hbm>>)
        tpu.yield
      }) : () -> ()
    } else {
    }
    return
  }
}

module attributes {stable_mosaic.version = 14 : i64} {
  func.func @_mm_body(%arg0: i32, %arg1: memref<2000x128xf32, #tpu.memory_space<vmem>>, %arg2: memref<128x256xf32, #tpu.memory_space<vmem>>, %arg3: memref<1x128xf32, #tpu.memory_space<vmem>>, %arg4: memref<2000x128xf32, #tpu.memory_space<vmem>>, %arg5: memref<2000x128xf32, #tpu.memory_space<vmem>>) attributes {dimension_semantics = [#tpu.dimension_semantics<arbitrary>], iteration_bounds = array<i64: 5>, scalar_prefetch = 0 : i64, scratch_operands = 0 : i64, tpu.core_type = #tpu.core_type<tc>, window_params = [{transform_indices = @transform_0, window_bounds = array<i64: 2000, 128>}, {pipeline_mode = #tpu.pipeline_mode<synchronous>, transform_indices = @transform_1, window_bounds = array<i64: 128, 256>}, {pipeline_mode = #tpu.pipeline_mode<synchronous>, transform_indices = @transform_2, window_bounds = array<i64: 1, 128>}, {transform_indices = @transform_3, window_bounds = array<i64: 2000, 128>}, {transform_indices = @transform_4, window_bounds = array<i64: 2000, 128>}]} {
    %get3A = arith.constant 0 : index
    %get3A_0 = arith.constant 0 : index
    %get3A_1 = vector.load %arg1[%get3A, %get3A_0] : memref<2000x128xf32, #tpu.memory_space<vmem>>, vector<2000x128xf32>
    %get3A_2 = arith.constant 0 : index
    %get3A_3 = arith.constant 0 : index
    %get3A_4 = vector.load %arg2[%get3A_2, %get3A_3] : memref<128x256xf32, #tpu.memory_space<vmem>>, vector<128x256xf32>
    %dot_general3A = arith.constant dense<0.000000e+00> : vector<2000x256xf32>
    %dot_general3A_5 = tpu.matmul %get3A_1, %get3A_4, %dot_general3A {dimension_numbers = #tpu.dot_dimension_numbers<[1], [0], [0], [1], [0, 0, 1, 1], [], []>, transpose_lhs_hint = false} : vector<2000x128xf32>, vector<128x256xf32>, vector<2000x256xf32> -> vector<2000x256xf32>
    %slice3A = vector.extract_strided_slice %dot_general3A_5 {offsets = [0, 0], sizes = [2000, 128], strides = [1, 1]} : vector<2000x256xf32> to vector<2000x128xf32>
    %swap3A = arith.constant 0 : index
    %swap3A_6 = arith.constant 0 : index
    %swap3A_7 = vector.load %arg4[%swap3A, %swap3A_6] : memref<2000x128xf32, #tpu.memory_space<vmem>>, vector<2000x128xf32>
    tpu.vector_store %arg4[%swap3A, %swap3A_6], %slice3A {strides = array<i32>} : memref<2000x128xf32, #tpu.memory_space<vmem>>, vector<2000x128xf32>,
    %slice3A_8 = vector.extract_strided_slice %dot_general3A_5 {offsets = [0, 128], sizes = [2000, 128], strides = [1, 1]} : vector<2000x256xf32> to vector<2000x128xf32>
    %get3A_9 = arith.constant 0 : index
    %get3A_10 = arith.constant 0 : index
    %get3A_11 = vector.load %arg3[%get3A_9, %get3A_10] : memref<1x128xf32, #tpu.memory_space<vmem>>, vector<1x128xf32>
    %add3A = vector.broadcast %get3A_11 : vector<1x128xf32> to vector<2000x128xf32>
    %add3A_12 = arith.addf %slice3A_8, %add3A : vector<2000x128xf32>
    %swap3A_13 = arith.constant 0 : index
    %swap3A_14 = arith.constant 0 : index
    %swap3A_15 = vector.load %arg5[%swap3A_13, %swap3A_14] : memref<2000x128xf32, #tpu.memory_space<vmem>>, vector<2000x128xf32>
    tpu.vector_store %arg5[%swap3A_13, %swap3A_14], %add3A_12 {strides = array<i32>} : memref<2000x128xf32, #tpu.memory_space<vmem>>, vector<2000x128xf32>,
    return
  }
  func.func @transform_0(%arg0: i32) -> (i32, i32) {
    %c0_i32 = arith.constant 0 : i32
    %c0_i32_0 = arith.constant 0 : i32
    return %arg0, %c0_i32 : i32, i32
  }
  func.func @transform_1(%arg0: i32) -> (i32, i32) {
    %c0_i32 = arith.constant 0 : i32
    %c0_i32_0 = arith.constant 0 : i32
    %c0_i32_1 = arith.constant 0 : i32
    return %c0_i32, %c0_i32_0 : i32, i32
  }
  func.func @transform_2(%arg0: i32) -> (i32, i32) {
    %c0_i32 = arith.constant 0 : i32
    %c0_i32_0 = arith.constant 0 : i32
    %c0_i32_1 = arith.constant 0 : i32
    return %c0_i32, %c0_i32_0 : i32, i32
  }
  func.func @transform_3(%arg0: i32) -> (i32, i32) {
    %c0_i32 = arith.constant 0 : i32
    %c0_i32_0 = arith.constant 0 : i32
    return %arg0, %c0_i32 : i32, i32
  }
  func.func @transform_4(%arg0: i32) -> (i32, i32) {
    %c0_i32 = arith.constant 0 : i32
    %c0_i32_0 = arith.constant 0 : i32
    return %arg0, %c0_i32 : i32, i32
  }
}

</mosaic_0001>

<sc_bundles>
// kernel: kernel.4.cloned.1.call-start
scs
__scs_entry_jumppad:
0x0: {  	(pc) =	sbr.rel $0x88, $3  }
0x1: {  	(tag) =	ssettag $0x0;
	lr =	simm.s32 $0x1  }
0x2: {  	[smem:$0x3F9C] =	sst lr;
	_ =	strace $0xD0000000  }
0x3: {  	_ = 	snop  }
0x4: {  	_ = 	snop  }
0x5: {  	_ = 	snop  }
0x6: {  	_ = 	snop  }
0x7: {  	_ = 	snop  }
__scs_overlays_trampoline_lowered:
0x8: {  	[smem:$0x3FAB] =	sst s0  }
0x9: {  	[smem:$0x3FAC] =	sst s1  }
0xa: {  	[smem:$0x3FAD] =	sst s2  }
0xb: {  	[smem:$0x3FAE] =	sst s3  }
0xc: {  	[smem:$0x3FAF] =	sst s4  }
0xd: {  	[smem:$0x3FB0] =	sst s5  }
0xe: {  	[smem:$0x3FB1] =	sst s6  }
0xf: {  	[smem:$0x3FB2] =	sst s7  }
0x10: {  	[smem:$0x3FB3] =	sst s8  }
0x11: {  	[smem:$0x3FB4] =	sst s9;
	s0 =	simm.s32 @!p0 $0x0  }
0x12: {  	s1 =	sld [smem:$0x3F9A];
	s0 =	simm.s32 @p0 $0x1  }
0x13: {  	[smem:$0x3FB5] =	sst s0;
	s0 =	simm.s32 @!p1 $0x0  }
0x14: {  	s2 =	sld [smem:$0x3F99];
	s0 =	simm.s32 @p1 $0x1  }
0x15: {  	[smem:$0x3FB6] =	sst s0;
	s0 =	simm.s32 @!p2 $0x0  }
0x16: {  	s3 =	sld [smem:$0x3FDB];
	s0 =	simm.s32 @p2 $0x1  }
0x17: {  	s4 =	simm.s32 $0x1BF5;
	[smem:$0x3FB8] =	sst s0  }
0x18: {  	s0 =	sld [smem:$0x3F9B];
	_ =	swait.ge [sflag:s4], $0x0  }
0x19: {  	s7 =	sld [smem:$0x3F9C]  }
0x1a: {  	s8 =	sadd.s32 $0xFFFFE003, lr  }
0x1b: {  	s9 =	sadd.s32 $0xFFFFFEF7, lr;
	s5 =	simm.s32 $0xFFFFFFFF;
	p2 =	slt.u32 s8, $0xFFFFF086  }
0x1c: {  	p1 =	slt.u32 s9, $0xF7A;
	s5 =	simm.s32 @!p2 $0x0  }
0x1d: {  	s5 =	simm.s32 @p1 $0x1;
	p0 =	seq.s32 s7, s2  }
0x1e: {  	s7 =	smul.u32 @!p0 $0xF7A, s2;
	p2 =	seq.s32 @!p0 s5, $0x0  }
0x1f: {  	s9 =	smul.u32 $0xF7A, s1;
	s8 =	simm.s32 @!p0 $0x1BF5;
	p2 =	por !p2, p0  }
0x20: {  	[sflag:s8] =	ssyncset.s32 @!p0 $0xFFFFF086;
	s6 =	sadd.s32 @!p0 s3, s7;
	s7 =	simm.s32 @!p0 $0x108  }
0x21: {  	s3 =	sadd.s32 s3, s9;
	s6 =	sadd.s32 @!p0 $0x88, s6;
	s7 =	simm.s32 @p2 $0x1082  }
0x22: {  	[simem:s7], [sflag:s8] =	dma.local @!p0 [hbm:s6], $0xF7A  }
0x23: {  	s9 =	sor.u32 $0xD0000000, s2;
	s6 =	simm.s32 $0x108;
	_ =	swait.ge @!p0 [sflag:s8], $0x0  }
0x24: {  	s3 =	sadd.s32 $0x88, s3;
	s6 =	simm.s32 @!p1 $0x1082;
	[sflag:s4] =	ssyncset.s32 $0xFFFFF086  }
0x25: {  	[simem:s6], [sflag:s4] =	dma.local [hbm:s3], $0xF7A  }
0x26: {  	[smem:$0x3F9C] =	sst s1;
	(tag) =	ssettag s2;
	_ =	strace s9  }
0x27: {  	s1 =	sld [smem:$0x3FAC]  }
0x28: {  	s2 =	sld [smem:$0x3FAD]  }
0x29: {  	s4 =	sld [smem:$0x3FAF]  }
0x2a: {  	p0 =	seq.s32 s5, $0x0;
	s5 =	sld [smem:$0x3FB0]  }
0x2b: {  	s6 =	sld [smem:$0x3FB1]  }
0x2c: {  	s7 =	sld [smem:$0x3FB2]  }
0x2d: {  	s3 =	simm.s32 $0x108;
	s8 =	sld [smem:$0x3FB3]  }
0x2e: {  	s3 =	simm.s32 @!p0 $0x1082;
	s9 =	sld [smem:$0x3FB4]  }
0x2f: {  	lr =	sadd.s32 s0, s3;
	s0 =	sld [smem:$0x3FAB]  }
0x30: {  	s3 =	sld [smem:$0x3FAE]  }
0x31: {  	[smem:$0x3FB7] =	sst s10  }
0x32: {  	s10 =	sld [smem:$0x3FB5];
	_ =	sdelay $0x3  }
0x33: {  	p0 =	seq.s32 s10, $0x1;
	s10 =	sld [smem:$0x3FB7];
	_ =	sdelay $0x3  }
0x34: {  	[smem:$0x3FB7] =	sst s10  }
0x35: {  	s10 =	sld [smem:$0x3FB6];
	_ =	sdelay $0x3  }
0x36: {  	p1 =	seq.s32 s10, $0x1;
	s10 =	sld [smem:$0x3FB7];
	_ =	sdelay $0x3  }
0x37: {  	[smem:$0x3FB7] =	sst s10  }
0x38: {  	s10 =	sld [smem:$0x3FB8]  }
0x39: {  	_ = 	snop;
	(pc) =	sbr.ind lr, $3  }
0x3a: {  	_ = 	snop  }
0x3b: {  	_ = 	snop  }
0x3c: {  	p2 =	seq.s32 s10, $0x1;
	s10 =	sld [smem:$0x3FB7]  }
0x3d: {  	_ =	shalt  }
0x3e: {  	_ =	shalt  }
0x3f: {  	_ =	shalt  }
0x40: {  	_ =	shalt  }
0x41: {  	_ =	shalt  }
0x42: {  	_ =	shalt  }
0x43: {  	_ =	shalt  }
0x44: {  	_ =	shalt  }
0x45: {  	_ =	shalt  }
0x46: {  	_ =	shalt  }
0x47: {  	_ =	shalt  }
0x48: {  	_ =	shalt  }
0x49: {  	_ =	shalt  }
0x4a: {  	_ =	shalt  }
0x4b: {  	_ =	shalt  }
0x4c: {  	_ =	shalt  }
0x4d: {  	_ =	shalt  }
0x4e: {  	_ =	shalt  }
0x4f: {  	_ =	shalt  }
0x50: {  	_ =	shalt  }
0x51: {  	_ =	shalt  }
0x52: {  	_ =	shalt  }
0x53: {  	_ =	shalt  }
0x54: {  	_ =	shalt  }
0x55: {  	_ =	shalt  }
0x56: {  	_ =	shalt  }
0x57: {  	_ =	shalt  }
0x58: {  	_ =	shalt  }
0x59: {  	_ =	shalt  }
0x5a: {  	_ =	shalt  }
0x5b: {  	_ =	shalt  }
0x5c: {  	_ =	shalt  }
0x5d: {  	_ =	shalt  }
0x5e: {  	_ =	shalt  }
0x5f: {  	_ =	shalt  }
0x60: {  	_ =	shalt  }
0x61: {  	_ =	shalt  }
0x62: {  	_ =	shalt  }
0x63: {  	_ =	shalt  }
0x64: {  	_ =	shalt  }
0x65: {  	_ =	shalt  }
0x66: {  	_ =	shalt  }
0x67: {  	_ =	shalt  }
0x68: {  	_ =	shalt  }
0x69: {  	_ =	shalt  }
0x6a: {  	_ =	shalt  }
0x6b: {  	_ =	shalt  }
0x6c: {  	_ =	shalt  }
0x6d: {  	_ =	shalt  }
0x6e: {  	_ =	shalt  }
0x6f: {  	_ =	shalt  }
0x70: {  	_ =	shalt  }
0x71: {  	_ =	shalt  }
0x72: {  	_ =	shalt  }
0x73: {  	_ =	shalt  }
0x74: {  	_ =	shalt  }
0x75: {  	_ =	shalt  }
0x76: {  	_ =	shalt  }
0x77: {  	_ =	shalt  }
0x78: {  	_ =	shalt  }
0x79: {  	_ =	shalt  }
0x7a: {  	_ =	shalt  }
0x7b: {  	_ =	shalt  }
0x7c: {  	_ =	shalt  }
0x7d: {  	_ =	shalt  }
0x7e: {  	_ =	shalt  }
0x7f: {  	_ =	shalt  }
0x80: {  	_ =	shalt  }
0x81: {  	_ =	shalt  }
0x82: {  	_ =	shalt  }
0x83: {  	_ =	shalt  }
0x84: {  	_ =	shalt  }
0x85: {  	_ =	shalt  }
0x86: {  	_ =	shalt  }
0x87: {  	_ =	shalt  }
.Lfunc_end0:
.L_simem_size_0:
called_computation_lowered:
.L_overlay_start_0:
0x88: {  	s2 =	sld [smem:$0x3FD9]  }
0x89: {  	s3 =	sld [smem:$0x3FFE];
	_ =	sdelay $0x1  }
0x8a: {  	s1 =	srdreg.scid  }
0x8b: {  	s0 =	sand.u32 $0x1, s1  }
0x8c: {  	s17 =	sshll.u32 s0, $0xA;
	s2 =	sadd.s32 s3, s2  }
0x8d: {  	s2 =	sadd.s32 s2, s17  }
0x8e: {  	[smem:$0x3FC3] =	sst s2  }
0x8f: {  	_ = 	snop  }
0x90: {  	s2 =	sld [smem:$0x3FD0];
	(tm) =	ssettm $0x1  }
0x91: {  	s18 =	sld [smem:$0x3FFB];
	_ =	sdelay $0x3  }
0x92: {  	_ =	strace s18  }
0x93: {  	s3 =	sld [smem:$0x3FFC];
	_ =	sdelay $0x3  }
0x94: {  	_ =	strace s3  }
0x95: {  	s3 =	sld [smem:$0x3FFD];
	_ =	sdelay $0x3  }
0x96: {  	_ =	strace s3  }
0x97: {  	_ =	strace $0x8FFFFFFF  }
0x98: {  	s19 =	sld [smem:$0x3FDB];
	_ =	sdelay $0x1  }
0x99: {  	s4 =	simm.s32 $_scs_section_size  }
0x9a: {  	s5 =	simm.s32 $_size__tile_overlayer_lowered;
	s6 =	simm.s32 $_tile_overlayer_lowered  }
0x9b: {  	s22 =	simm.s32 $0x1BFF;
	s21 =	sshll.u32 s6, $0x1;
	s3 =	sadd.s32 s4, s19  }
0x9c: {  	s7 =	simm.s32 $0x0;
	s20 =	sshll.u32 s5, $0x1;
	s5 =	sadd.s32 s21, s3  }
0x9d: {  	[timem:s7], [sflag:s22] =	dma.local [hbm:s5], s20  }
0x9e: {  	_ =	swait.ge [sflag:s22], s20  }
0x9f: {  	s4 =	ssub.s32 $0x0, s20;
	[sflag:s22] =	ssyncset.done $0x0  }
0xa0: {  	[sflag:s22] =	ssyncadd.s32 s4;
	_ =	sdelay $0x1  }
0xa1: {  	s23 =	simm.s32 $0x1B8B  }
0xa2: {  	_ =	swait.ge [sflag:s23], $0x1  }
0xa3: {  	[sflag:s23] =	ssyncset.done $0x0  }
0xa4: {  	s25 =	simm.s32 $0x1B8E;
	s24 =	sld [smem:$0x3FFE];
	[sflag:s23] =	ssyncadd.s32 $0xFFFFFFFF  }
0xa5: {  	s26 =	simm.s32 $execute0_lowered;
	[smem:$0x3FD2] =	sst s25  }
0xa6: {  	s5 =	sshll.u32 s26, $0x1;
	_ =	strace $0x80000046;
	[dreg:$0x1] =	wrdreg $0xFFFFFFFF  }
0xa7: {  	s28 =	simm.s32 $_size_execute0_lowered;
	s3 =	sadd.s32 s3, s5;
	[dreg:$0x0] =	wrdreg $0x0  }
0xa8: {  	s5 =	sshll.u32 s28, $0x1;
	[dreg:$0x2] =	wrdreg s3  }
0xa9: {  	[dreg:$0x3] =	wrdreg s5  }
0xaa: {  	[dreg:$0x4] =	wrdreg $0xC0  }
0xab: {  	_ =	task [dreg:s7], $0x5FFFF  }
0xac: {  	[dreg:$0x1] =	wrdreg $0xFFFFFFFF  }
0xad: {  	[dreg:$0x0] =	wrdreg $0x60  }
0xae: {  	[dreg:$0x2] =	wrdreg s24  }
0xaf: {  	[dreg:$0x3] =	wrdreg s2  }
0xb0: {  	[dreg:$0x4] =	wrdreg $0xE0800  }
0xb1: {  	[dreg:$0x5] =	wrdreg $0x9  }
0xb2: {  	_ =	task.clear_ibuf [dreg:s7], $0x6FFFF;
	_ =	strace $0x90000046  }
0xb3: {  	s29 =	simm.s32 $0x9;
	_ =	strace $0x80000048  }
0xb4: {  	_ =	swait.ge [sflag:s29], $0x1  }
0xb5: {  	[sflag:s29] =	ssyncadd.s32 $0xFFFFFFFF  }
0xb6: {  	_ =	strace $0x90000048  }
0xb7: {  	_ =	sfence  }
0xb8: {  	s30 =	sld [smem:$0x0];
	_ =	sdelay $0x2  }
0xb9: {  	s31 =	sshll.u32 s1, $0xD;
	s1 =	sshrl.u32 s1, $0x2  }
0xba: {  	s3 =	sand.u32 $0x4000, s31;
	s1 =	sadd.s32 s1, s30  }
0xbb: {  	s0 =	sor.u32 s3, s0;
	s1 =	sshll.u32 s1, $0x11  }
0xbc: {  	s0 =	sor.u32 s1, s0  }
0xbd: {  	s0 =	sadd.s32 $0x8F2B, s0  }
0xbe: {  	[sflag:s0] =	ssyncadd.remote.s32 $0x1  }
0xbf: {  	_ =	sfence.sel $0xFFFF  }
0xc0: {  	[dreg:$0x0] =	wrdreg $0xFFFFFFFF;
	(pc) =	sbr.abs _section_cstart, $3  }
0xc1: {  	[dreg:$0x1] =	wrdreg $0xFFFFFFFF  }
0xc2: {  	_ =	task.clear_ibuf [dreg:s7], $0x2FFFF;
	_ =	strace $0x9FFFFFFF  }
0xc3: {  	(tm) =	ssettm $0x7FFFFFFF  }
tec
execute0_lowered:
.L_overlay_start_1:
0x0: {  	(tag) =	ssettag $0x1  }
0x1: {  	s0 =	rddreg [dreg:$0x0]  }
0x2: {  	s14 =	rddreg [dreg:$0x1]  }
0x3: {  	s2 =	rddreg [dreg:$0x2]  }
0x4: {  	s3 =	simm.s32 $0x0;
	s1 =	stileid.u32;
	s4 =	srdreg.scid  }
0x5: {  	s17 =	simm.s32 $0x5000;
	s21 =	simm.s32 $0x80;
	s22 =	simm.s32 $0xA080  }
0x6: {  	s24 =	simm.s32 $0xA000;
	s25 =	simm.s32 $0x0;
	s5 =	smul.u32 $0xA00, s1  }
0x7: {  	[smem:$0x7FF] =	sst s3;
	s16 =	sand.u32 $0x1, s4;
	s8 =	smul.u32 $0x28000, s1  }
0x8: {  	s4 =	sadd.s32 $0x15000, s0;
	s11 =	sadd.s32 $0x3C200, s0;
	s12 =	smul.u32 $0x1400, s1  }
0x9: {  	p1 =	sne.s32 s1, $0xF;
	p2 =	seq.s32 s1, $0xF;
	s9 =	smul.u32 $0x9800, s1  }
0xa: {  	s10 =	smul.u32 $0x26000, s1;
	_ =	strace $0x80000047;
	s6 =	ssub.s32 $0x2, s16  }
0xb: {  	s23 =	smul.u32 $0x1400, s16;
	p0 =	seq.s32 s16, $0x1;
	s7 =	sadd.s32 s5, s0  }
0xc: {  	s29 =	sshrl.u32 s6, $0x1;
	s30 =	sshrl.u32 s8, $0x2;
	p1 =	por !p1, !p0  }
0xd: {  	p2 =	por !p2, !p0;
	s8 =	sadd.s32 $0x8E800, s2;
	s10 =	sshrl.u32 s10, $0x2  }
0xe: {  	s13 =	sshrl.u32 s9, $0x3;
	s9 =	sadd.s32 $0x61F00, s0;
	s15 =	ssub.s32 s6, s29  }
0xf: {  	s5 =	sadd.s32 $0xB000, s7;
	s6 =	sadd.s32 $0x1000, s7;
	s19 =	sadd.s32 s30, s2  }
0x10: {  	s7 =	sadd.s32 s11, s12;
	p0 =	por !p1, !p1;
	p2 =	por !p2, !p2  }
0x11: {  	s10 =	sadd.s32 s10, s2;
	s31 =	sadd.s32 $0x14000, s13;
	s12 =	sadd.s32 s14, s12  }
0x12: {  	p1 =	sne.s32 s16, $0x0;
	s16 =	simm.s32 $0x2;
	v0 =	vmov s23;
	s23 =	simm.s32 $0x1  }
0x13: {  	s11 =	sadd.s32 s11, s31;
	s13 =	sadd.s32 s14, s31;
	s14 =	sadd.s32 $0x25D00, s14  }
0x14: {  	s15 =	smax.u32 s15, $0x1;
	s0 =	sshll.u32 @!p1 s1, $0x6;
	p2 =	por !p2, p0  }
0x15: {  	s19 =	sshrl.u32 @!p1 s19, $0x3;
	s18 =	sor.u32 @!p1 $0x1C02, s0;
	s20 =	sshrl.u32 @!p2 s8, $0x3  }
.LBB2_1:
0x16: {  	[tilespmem:s3], [sflag:$0x2] =	stream.linear.gather [hbm4b:s5+s3], $0x4E80, $0x38;
	[tilespmem:$0x180C0] =	vst v63  }
0x17: {  	_ =	swait.ge [sflag:s16], $0x4E80  }
0x18: {  	[sflag:s16] =	ssyncset.done $0x0  }
0x19: {  	[sflag:s16] =	ssyncadd.s32 $0xFFFFB180  }
0x1a: {  	[tilespmem:s17], [sflag:$0x2] =	stream.linear.gather [hbm4b:s6+s3], $0x4E80, $0x38;
	[tilespmem:$0x180C0] =	vst v63  }
0x1b: {  	_ =	swait.ge [sflag:s16], $0x4E80  }
0x1c: {  	[sflag:s16] =	ssyncset.done $0x0  }
0x1d: {  	s0 =	simm.s32 @!p1 $0x2;
	[sflag:s16] =	ssyncadd.s32 $0xFFFFB180  }
0x1e: {  	[spmem:s19], [sflag:s18] =	dma.local @!p1 [hbm:s7], $0x1400  }
0x1f: {  	_ =	swait.ge @!p1 [sflag:s0], $0x1400  }
0x20: {  	[sflag:s0] =	ssyncset.done @!p1 $0x0  }
0x21: {  	[sflag:s0] =	ssyncadd.s32 @!p1 $0xFFFFEC00;
	s0 =	simm.s32 @!p2 $0x1FC2  }
0x22: {  	[spmem:s20], [sflag:s0] =	dma.local @!p2 [hbm:s9], $0x1400  }
0x23: {  	s0 =	simm.s32 @!p2 $0x2  }
0x24: {  	_ =	swait.ge @!p2 [sflag:s0], $0x1400  }
0x25: {  	s26 =	sshll.u32 @p0 s1, $0x6;
	s28 =	sshrl.u32 @p0 s10, $0x3;
	[sflag:s0] =	ssyncset.done @!p2 $0x0  }
0x26: {  	s26 =	sor.u32 @p0 $0x1C02, s26;
	[sflag:s0] =	ssyncadd.s32 @!p2 $0xFFFFEC00;
	s0 =	simm.s32 @p0 $0x2  }
0x27: {  	[spmem:s28], [sflag:s26] =	dma.local @p0 [hbm:s11], $0x1300  }
0x28: {  	_ =	swait.ge @p0 [sflag:s0], $0x1300  }
0x29: {  	[sflag:s0] =	ssyncset.done @p0 $0x0  }
0x2a: {  	[sflag:s0] =	ssyncadd.s32 @p0 $0xFFFFED00  }
0x2b: {  	s31 =	simm.s32 $0x0;
	[bflag:$0x0] =	sbarrier.arrive $0xFFFF  }
0x2c: {  	[tilespmem:s22], [sflag:$0x1] =	stream.indirect.gather [hbm4b:s4+s21], $0x80, s31, s21, $0xb8;
	[tilespmem:$0x180C0] =	vst v63  }
0x2d: {  	v1 =	vld [tilespmem:s31+$0x5000];
	_ =	sdelay $0x4  }
0x2e: {  	v1 =	vsub.s32 v1, v0  }
0x2f: {  	v1 =	vmin.u32 v1, $0x1400  }
0x30: {  	[tilespmem:$0xA000] =	vst v1  }
0x31: {  	v1 =	vld [tilespmem:s31+$0x5010];
	_ =	sdelay $0x4  }
0x32: {  	v1 =	vsub.s32 v1, v0  }
0x33: {  	v1 =	vmin.u32 v1, $0x1400  }
0x34: {  	[tilespmem:$0xA010] =	vst v1  }
0x35: {  	v1 =	vld [tilespmem:s31+$0x5020];
	_ =	sdelay $0x4  }
0x36: {  	v1 =	vsub.s32 v1, v0  }
0x37: {  	v1 =	vmin.u32 v1, $0x1400  }
0x38: {  	[tilespmem:$0xA020] =	vst v1  }
0x39: {  	v1 =	vld [tilespmem:s31+$0x5030];
	_ =	sdelay $0x4  }
0x3a: {  	v1 =	vsub.s32 v1, v0  }
0x3b: {  	v1 =	vmin.u32 v1, $0x1400  }
0x3c: {  	[tilespmem:$0xA030] =	vst v1  }
0x3d: {  	v1 =	vld [tilespmem:s31+$0x5040];
	_ =	sdelay $0x4  }
0x3e: {  	v1 =	vsub.s32 v1, v0  }
0x3f: {  	v1 =	vmin.u32 v1, $0x1400  }
0x40: {  	[tilespmem:$0xA040] =	vst v1  }
0x41: {  	v1 =	vld [tilespmem:s31+$0x5050];
	_ =	sdelay $0x4  }
0x42: {  	v1 =	vsub.s32 v1, v0  }
0x43: {  	v1 =	vmin.u32 v1, $0x1400  }
0x44: {  	[tilespmem:$0xA050] =	vst v1  }
0x45: {  	v1 =	vld [tilespmem:s31+$0x5060];
	_ =	sdelay $0x4  }
0x46: {  	v1 =	vsub.s32 v1, v0  }
0x47: {  	v1 =	vmin.u32 v1, $0x1400  }
0x48: {  	[tilespmem:$0xA060] =	vst v1  }
0x49: {  	v1 =	vld [tilespmem:s31+$0x5070];
	_ =	sdelay $0x4  }
0x4a: {  	v1 =	vsub.s32 v1, v0  }
0x4b: {  	v1 =	vmin.u32 v1, $0x1400  }
0x4c: {  	[tilespmem:$0xA070] =	vst v1  }
0x4d: {  	_ =	swait.ge [sflag:s23], $0x4000  }
0x4e: {  	p4 =	por @!p0 $0x0, $0x0;
	[sflag:s23] =	ssyncset.done $0x0  }
0x4f: {  	p3 =	por @!p2 $0x1, $0x1;
	s29 =	simm.s32 $0x200;
	[sflag:s23] =	ssyncadd.s32 $0xFFFFC000  }
0x50: {  	[spmem:s2] =	stream.indirect.scatter.add.f32 [tilespmem:s22], [sflag:$0x2], $0x80, s24, s21, $0xb8;
	[tilespmem:$0x180C0] =	vst v63  }
0x51: {  	p4 =	por @!p2 p3, p3;
	p3 =	por @p0 $0x0, $0x0;
	_ =	swait.ge [sflag:s16], $0x4000  }
0x52: {  	s30 =	simm.s32 $0x400;
	p3 =	por @!p0 p4, p4;
	[sflag:s16] =	ssyncset.done $0x0  }
.LBB2_2:
0x53: {  	s31 =	sshra.s32 s29, $0x2  }
0x54: {  	[sflag:s16] =	ssyncadd.s32 $0xFFFFC000;
	s29 =	smov.u32 s30;
	s0 =	sadd.s32 $0x200, s30  }
0x55: {  	[tilespmem:s22], [sflag:$0x1] =	stream.indirect.gather [hbm4b:s4+s21], $0x80, s31, s21, $0xb8;
	[tilespmem:$0x180C0] =	vst v63  }
0x56: {  	p4 =	sne.s32 s30, $0x13800;
	v1 =	vld [tilespmem:s31+$0x5000];
	_ =	sdelay $0x4  }
0x57: {  	v1 =	vsub.s32 v1, v0  }
0x58: {  	v1 =	vmin.u32 v1, $0x1400  }
0x59: {  	[tilespmem:$0xA000] =	vst v1  }
0x5a: {  	v1 =	vld [tilespmem:s31+$0x5010];
	_ =	sdelay $0x4  }
0x5b: {  	v1 =	vsub.s32 v1, v0  }
0x5c: {  	v1 =	vmin.u32 v1, $0x1400  }
0x5d: {  	[tilespmem:$0xA010] =	vst v1  }
0x5e: {  	v1 =	vld [tilespmem:s31+$0x5020];
	_ =	sdelay $0x4  }
0x5f: {  	v1 =	vsub.s32 v1, v0  }
0x60: {  	v1 =	vmin.u32 v1, $0x1400  }
0x61: {  	[tilespmem:$0xA020] =	vst v1  }
0x62: {  	v1 =	vld [tilespmem:s31+$0x5030];
	_ =	sdelay $0x4  }
0x63: {  	v1 =	vsub.s32 v1, v0  }
0x64: {  	v1 =	vmin.u32 v1, $0x1400  }
0x65: {  	[tilespmem:$0xA030] =	vst v1  }
0x66: {  	v1 =	vld [tilespmem:s31+$0x5040];
	_ =	sdelay $0x4  }
0x67: {  	v1 =	vsub.s32 v1, v0  }
0x68: {  	v1 =	vmin.u32 v1, $0x1400  }
0x69: {  	[tilespmem:$0xA040] =	vst v1  }
0x6a: {  	v1 =	vld [tilespmem:s31+$0x5050];
	_ =	sdelay $0x4  }
0x6b: {  	v1 =	vsub.s32 v1, v0  }
0x6c: {  	v1 =	vmin.u32 v1, $0x1400  }
0x6d: {  	[tilespmem:$0xA050] =	vst v1  }
0x6e: {  	v1 =	vld [tilespmem:s31+$0x5060];
	_ =	sdelay $0x4  }
0x6f: {  	v1 =	vsub.s32 v1, v0  }
0x70: {  	v1 =	vmin.u32 v1, $0x1400  }
0x71: {  	[tilespmem:$0xA060] =	vst v1  }
0x72: {  	v1 =	vld [tilespmem:s31+$0x5070];
	_ =	sdelay $0x4  }
0x73: {  	v1 =	vsub.s32 v1, v0  }
0x74: {  	v1 =	vmin.u32 v1, $0x1400  }
0x75: {  	[tilespmem:$0xA070] =	vst v1  }
0x76: {  	_ =	swait.ge [sflag:s23], $0x4000  }
.Ltmp0:
0x77: {  	[sflag:s23] =	ssyncset.done $0x0;
	(pc) =	sbr.rel @p4 .LBB2_2-.Ltmp0, $4  }
0x78: {  	[sflag:s23] =	ssyncadd.s32 $0xFFFFC000  }
0x79: {  	[spmem:s2] =	stream.indirect.scatter.add.f32 [tilespmem:s22], [sflag:$0x2], $0x80, s24, s21, $0xb8;
	[tilespmem:$0x180C0] =	vst v63  }
0x7a: {  	_ =	swait.ge [sflag:s16], $0x4000  }
0x7b: {  	s30 =	smov.u32 s0;
	[sflag:s16] =	ssyncset.done $0x0  }
0x7c: {  	s0 =	sshra.s32 s29, $0x2;
	[sflag:s16] =	ssyncadd.s32 $0xFFFFC000  }
0x7d: {  	[tilespmem:s22], [sflag:$0x1] =	stream.indirect.gather [hbm4b:s4+s21], $0x80, s0, s21, $0xb8;
	[tilespmem:$0x180C0] =	vst v63  }
0x7e: {  	v1 =	vld [tilespmem:s0+$0x5000];
	_ =	sdelay $0x4  }
0x7f: {  	v1 =	vsub.s32 v1, v0  }
0x80: {  	v1 =	vmin.u32 v1, $0x1400  }
0x81: {  	[tilespmem:$0xA000] =	vst v1  }
0x82: {  	v1 =	vld [tilespmem:s0+$0x5010];
	_ =	sdelay $0x4  }
0x83: {  	v1 =	vsub.s32 v1, v0  }
0x84: {  	v1 =	vmin.u32 v1, $0x1400  }
0x85: {  	[tilespmem:$0xA010] =	vst v1  }
0x86: {  	v1 =	vld [tilespmem:s0+$0x5020];
	_ =	sdelay $0x4  }
0x87: {  	v1 =	vsub.s32 v1, v0  }
0x88: {  	v1 =	vmin.u32 v1, $0x1400  }
0x89: {  	[tilespmem:$0xA020] =	vst v1  }
0x8a: {  	v1 =	vld [tilespmem:s0+$0x5030];
	_ =	sdelay $0x4  }
0x8b: {  	v1 =	vsub.s32 v1, v0  }
0x8c: {  	v1 =	vmin.u32 v1, $0x1400  }
0x8d: {  	[tilespmem:$0xA030] =	vst v1  }
0x8e: {  	v1 =	vld [tilespmem:s0+$0x5040];
	_ =	sdelay $0x4  }
0x8f: {  	v1 =	vsub.s32 v1, v0  }
0x90: {  	v1 =	vmin.u32 v1, $0x1400  }
0x91: {  	[tilespmem:$0xA040] =	vst v1  }
0x92: {  	v1 =	vld [tilespmem:s0+$0x5050];
	_ =	sdelay $0x4  }
0x93: {  	v1 =	vsub.s32 v1, v0  }
0x94: {  	v1 =	vmin.u32 v1, $0x1400  }
0x95: {  	[tilespmem:$0xA050] =	vst v1  }
0x96: {  	v1 =	vld [tilespmem:s0+$0x5060];
	_ =	sdelay $0x4  }
0x97: {  	v1 =	vsub.s32 v1, v0  }
0x98: {  	v1 =	vmin.u32 v1, $0x1400  }
0x99: {  	[tilespmem:$0xA060] =	vst v1  }
0x9a: {  	v1 =	vld [tilespmem:s0+$0x5070];
	_ =	sdelay $0x4  }
0x9b: {  	v1 =	vsub.s32 v1, v0  }
0x9c: {  	v1 =	vmin.u32 v1, $0x1400  }
0x9d: {  	[tilespmem:$0xA070] =	vst v1  }
0x9e: {  	_ =	swait.ge [sflag:s23], $0x4000  }
0x9f: {  	[sflag:s23] =	ssyncset.done $0x0  }
0xa0: {  	[sflag:s23] =	ssyncadd.s32 $0xFFFFC000  }
0xa1: {  	[spmem:s2] =	stream.indirect.scatter.add.f32 [tilespmem:s22], [sflag:$0x2], $0x80, s24, s21, $0xb8;
	[tilespmem:$0x180C0] =	vst v63  }
0xa2: {  	_ =	swait.ge [sflag:s16], $0x4000  }
0xa3: {  	[sflag:s16] =	ssyncset.done $0x0  }
0xa4: {  	[sflag:s16] =	ssyncadd.s32 $0xFFFFC000  }
0xa5: {  	s0 =	simm.s32 @!p1 $0x2;
	[bflag:$0x0] =	sbarrier.arrive $0xFFFF  }
0xa6: {  	[hbm:s12], [sflag:s18] =	dma.local @!p1 [spmem:s19], $0x1400  }
0xa7: {  	_ =	swait.ge @!p1 [sflag:s0], $0x1400  }
0xa8: {  	[sflag:s0] =	ssyncset.done @!p1 $0x0  }
0xa9: {  	[sflag:s0] =	ssyncadd.s32 @!p1 $0xFFFFEC00;
	s0 =	simm.s32 @p0 $0x2  }
0xaa: {  	[hbm:s13], [sflag:s26] =	dma.local @p0 [spmem:s28], $0x1300  }
0xab: {  	s25 =	sadd.s32 $0x1, s25;
	_ =	swait.ge @p0 [sflag:s0], $0x1300  }
0xac: {  	p4 =	sne.s32 s25, s15;
	s26 =	sshll.u32 @p3 s1, $0x6;
	[sflag:s0] =	ssyncset.done @p0 $0x0  }
0xad: {  	[sflag:s0] =	ssyncadd.s32 @p0 $0xFFFFED00;
	s0 =	sor.u32 @p3 $0x1C02, s26;
	s26 =	sshrl.u32 @p3 s8, $0x3  }
0xae: {  	[hbm:s14], [sflag:s0] =	dma.local @p3 [spmem:s26], $0x1400  }
.Ltmp1:
0xaf: {  	_ = 	snop;
	(pc) =	sbr.rel @p4 .LBB2_1-.Ltmp1, $4  }
0xb0: {  	s0 =	simm.s32 @p3 $0x2  }
0xb1: {  	_ =	swait.ge @p3 [sflag:s0], $0x1400  }
0xb2: {  	[sflag:s0] =	ssyncset.done @p3 $0x0  }
0xb3: {  	[sflag:s0] =	ssyncadd.s32 @p3 $0xFFFFEC00  }
0xb4: {  	_ =	sfence.sel $0x180000  }
0xb5: {  	[bflag:$0x0] =	sbarrier.arrive $0xFFFF  }
0xb6: {  	_ =	strace $0x90000047  }
0xb7: {  	[bflag:$0x2] =	sbarrier.arrive $0xFFFF  }
0xb8: {  	p0 =	sne.s32 s1, $0x0;
	s0 =	rddreg [dreg:$0x3]  }
0xb9: {  	s0 =	sadd.s32 @!p0 $0x100000, s0  }
0xba: {  	[sflag:s0] =	ssyncadd.tile.s32 @!p0 $0x1;
	_ =	shalt  }
.Lfunc_end2:
_tile_overlayer_lowered:
.L_overlay_start_2:
0xbb: {  	(tag) =	ssettag $0x2  }
0xbc: {  	s0 =	rddreg [dreg:$0x0];
	s2 =	stileid.u32  }
0xbd: {  	s1 =	rddreg [dreg:$0x1];
	p0 =	sne.s32 s2, $0x0  }
0xbe: {  	s3 =	rddreg [dreg:$0x2];
	[bflag:$0x3] =	sbarrier.arrive $0xFFFF;
	s2 =	simm.s32 @!p0 $0x1C02  }
0xbf: {  	[timem:s3], [sflag:s2] =	dma.local @!p0 [hbm:s0], s1  }
0xc0: {  	s0 =	simm.s32 @!p0 $0x2  }
0xc1: {  	_ =	swait.ge @!p0 [sflag:s0], s1  }
0xc2: {  	s1 =	ssub.s32 @!p0 $0x0, s1;
	[sflag:s0] =	ssyncset.done @!p0 $0x0  }
0xc3: {  	[sflag:s0] =	ssyncadd.s32 @!p0 s1  }
0xc4: {  	[bflag:$0x3] =	sbarrier.arrive $0xFFFF  }
0xc5: {  	_ =	shalt  }

</sc_bundles>
